<compile_context>
chip_gen: v7x
topology: tpu7x:2x2x1
jax: 0.10.2.dev20260603
libtpu: 0.0.44.dev20260713+nightly
codegen_flags: <defaults>
</compile_context>

<pallas_src>
import functools

import jax
import jax.numpy as jnp
from jax import lax
from jax.experimental import pallas as pl
from jax.experimental.pallas import tpu as pltpu
from jax.experimental.pallas import tpu_sc as plsc

_VOCAB = 100000
_D = 64
_BT = 256
_NC, _NS = 2, 16
_NW = _NC * _NS
_BPW = _BT // _NW

_TILE_V = 16384


def _gather_body(table_hbm, idx_hbm, out_hbm, idx_v, rows_v, sem):
    wid = lax.axis_index("s") * _NC + lax.axis_index("c")
    base = wid * _BPW
    pltpu.sync_copy(idx_hbm.at[pl.ds(wid, 1)], idx_v)
    ids = idx_v[0, :]
    copies = [
        pltpu.async_copy(table_hbm.at[ids[j]], rows_v.at[j], sem)
        for j in range(_BPW)
    ]
    for c in copies:
        c.wait()
    pltpu.sync_copy(rows_v, out_hbm.at[pl.ds(base, _BPW)])


def _sc_gather(emb, idx16):
    mesh = plsc.VectorSubcoreMesh(
        core_axis_name="c", subcore_axis_name="s",
        num_cores=_NC, num_subcores=_NS)
    return pl.kernel(
        _gather_body,
        out_type=jax.ShapeDtypeStruct((_BT, _D), jnp.float32),
        mesh=mesh,
        scratch_types=[
            pltpu.VMEM((1, 16), jnp.int32),
            pltpu.VMEM((_BPW, _D), jnp.float32),
            pltpu.SemaphoreType.DMA,
        ],
    )(emb, idx16)


def _proj_body(h_ref, w_ref, o_ref):
    o_ref[...] = jnp.dot(h_ref[...], w_ref[...],
                         preferred_element_type=jnp.float32)


def _tc_project(h, W):
    nblk = pl.cdiv(_VOCAB, _TILE_V)
    return pl.pallas_call(
        _proj_body,
        grid=(nblk,),
        in_specs=[
            pl.BlockSpec((_BT, _D), lambda i: (0, 0)),
            pl.BlockSpec((_D, _TILE_V), lambda i: (0, i)),
        ],
        out_specs=pl.BlockSpec((_BT, _TILE_V), lambda i: (0, i)),
        out_shape=jax.ShapeDtypeStruct((_BT, _VOCAB), jnp.float32),
        compiler_params=pltpu.CompilerParams(
            dimension_semantics=("arbitrary",)),
    )(h, W)


def kernel(x, emb, W):
    b, t = x.shape
    idx = x.reshape(_NW, _BPW).astype(jnp.int32)
    idx16 = jnp.pad(idx, ((0, 0), (0, 16 - _BPW)))
    h = _sc_gather(emb, idx16)
    return h

# --- scband reference (transcript-rebuilt; emitter-appended) ---
"""Pipeline reference for scband-autoregressive-wrapper-86517821211010 (READ-ONLY COPY).

The authoritative reference and input builder live on the scoring server;
editing this copy changes nothing except your own understanding.
"""

import jax, jax.numpy as jnp
import numpy as np

VOCAB = 100000
D_MODEL = 64
B = 16
T = 16


def setup_inputs(seed: int = 0) -> dict:
    key = jax.random.key(seed)
    k1, k2, k3 = jax.random.split(key, 3)
    x = jax.random.randint(k1, (B, T), 0, VOCAB, dtype=jnp.int64) if jax.config.read('jax_enable_x64') else jax.random.randint(k1, (B, T), 0, VOCAB, dtype=jnp.int32)
    emb = jax.random.normal(k2, (VOCAB, D_MODEL), dtype=jnp.float32) * 0.02
    W = jax.random.normal(k3, (D_MODEL, VOCAB), dtype=jnp.float32) * 0.02
    return {"x": x, "emb": emb, "W": W}


def reference(x, emb, W):
    # AutoregressiveWrapper.forward(x) == self.net(x)
    # net is a token-embedding LM: gather embeddings then project to vocab logits.
    h = jnp.take(emb, x, axis=0)          # [B, T, D] embedding gather (SparseCore gather)
    logits = jnp.einsum('btd,dv->btv', h, W)  # [B, T, VOCAB] vocab projection
    return logits

if __name__ == "__main__":
    import jax
    _d = setup_inputs()
    print(jax.jit(kernel)(*tuple(_d.values())))

</pallas_src>

<mosaic_0001>
#map = affine_map<(d0, d1) -> (0, 0)>
module attributes {stable_mosaic.version = 14 : i64} {
  func.func @_gather_body(%arg0: i32, %arg1: i32, %arg2: memref<100000x64xf32, #tpu.memory_space<hbm>>, %arg3: memref<32x16xi32, #tpu.memory_space<hbm>>, %arg4: memref<256x64xf32, #tpu.memory_space<hbm>>, %arg5: memref<1x16xi32, #tpu.memory_space<vmem>>, %arg6: memref<8x64xf32, #tpu.memory_space<vmem>>, %arg7: memref<!tpu.dma_semaphore, #tpu.memory_space<semaphore_mem>>) attributes {dimension_semantics = [#tpu.dimension_semantics<core_parallel>, #tpu.dimension_semantics<subcore_parallel>], iteration_bounds = array<i64: 2, 16>, scalar_prefetch = 0 : i64, scratch_operands = 3 : i64, tpu.core_type = #tpu.core_type<sc_vector_subcore>, window_params = [{transform_indices = #map}, {transform_indices = #map}, {transform_indices = #map}]} {
    %mul3A = arith.constant 2 : i32
    %mul3A_0 = arith.muli %arg1, %mul3A : i32
    %add3A = arith.addi %mul3A_0, %arg0 : i32
    %mul3A_1 = arith.constant 8 : i32
    %mul3A_2 = arith.muli %add3A, %mul3A_1 : i32
    "tpu.region"() ({
      %run_scoped3A = tpu.sem_alloc : memref<!tpu.dma_semaphore, #tpu.memory_space<semaphore_mem>>
      %dma_start3A_227 = arith.constant 0 : i32
      %dma_start3A_228 = tpu.memref_slice %arg3[%add3A, %dma_start3A_227] : memref<32x16xi32, #tpu.memory_space<hbm>> -> memref<1x16xi32, #tpu.memory_space<hbm>>
      %dma_start3A_229 = arith.constant 0 : i32
      %dma_start3A_230 = tpu.memref_slice %arg3[%add3A, %dma_start3A_229] : memref<32x16xi32, #tpu.memory_space<hbm>> -> memref<1x16xi32, #tpu.memory_space<hbm>>
      tpu.enqueue_dma source(%dma_start3A_230 : memref<1x16xi32, #tpu.memory_space<hbm>>) target(%arg5 : memref<1x16xi32, #tpu.memory_space<vmem>>) target_semaphore(%run_scoped3A : memref<!tpu.dma_semaphore, #tpu.memory_space<semaphore_mem>>)
      %dma_wait3A_231 = arith.constant 0 : i32
      %dma_wait3A_232 = tpu.memref_slice %arg3[%add3A, %dma_wait3A_231] : memref<32x16xi32, #tpu.memory_space<hbm>> -> memref<1x16xi32, #tpu.memory_space<hbm>>
      %dma_wait3A_233 = arith.constant 0 : i32
      %dma_wait3A_234 = tpu.memref_slice %arg3[%add3A, %dma_wait3A_233] : memref<32x16xi32, #tpu.memory_space<hbm>> -> memref<1x16xi32, #tpu.memory_space<hbm>>
      tpu.wait_dma2 semaphore(%run_scoped3A : memref<!tpu.dma_semaphore, #tpu.memory_space<semaphore_mem>>) src(%dma_wait3A_234 : memref<1x16xi32, #tpu.memory_space<hbm>>) dst(%arg5 : memref<1x16xi32, #tpu.memory_space<vmem>>)
      tpu.yield
    }) : () -> ()
    %get3A = arith.constant 0 : i32
    %get3A_3 = arith.index_cast %get3A : i32 to index
    %get3A_4 = arith.constant 0 : index
    %get3A_5 = tpu.vector_load %arg5[%get3A_3, %get3A_4] {strides = array<i32>} : memref<1x16xi32, #tpu.memory_space<vmem>>, vector<1x16xi32>,
    %get3A_6 = vector.shape_cast %get3A_5 : vector<1x16xi32> to vector<16xi32>
    %slice3A = vector.extract_strided_slice %get3A_6 {offsets = [0], sizes = [1], strides = [1]} : vector<16xi32> to vector<1xi32>
    %squeeze3A = vector.extract %slice3A[0] : i32 from vector<1xi32>
    %dma_start3A = arith.constant 0 : i32
    %dma_start3A_7 = arith.constant 0 : i32
    %dma_start3A_8 = tpu.memref_slice %arg6[%dma_start3A, %dma_start3A_7] : memref<8x64xf32, #tpu.memory_space<vmem>> -> memref<1x64xf32, #tpu.memory_space<vmem>>
    %dma_start3A_9 = tpu.memref_squeeze %dma_start3A_8 : memref<1x64xf32, #tpu.memory_space<vmem>> -> memref<64xf32, #tpu.memory_space<vmem>>
    %dma_start3A_10 = arith.constant 0 : i32
    %dma_start3A_11 = tpu.memref_slice %arg2[%squeeze3A, %dma_start3A_10] : memref<100000x64xf32, #tpu.memory_space<hbm>> -> memref<1x64xf32, #tpu.memory_space<hbm>>
    %dma_start3A_12 = tpu.memref_squeeze %dma_start3A_11 : memref<1x64xf32, #tpu.memory_space<hbm>> -> memref<64xf32, #tpu.memory_space<hbm>>
    %dma_start3A_13 = arith.constant 0 : i32
    %dma_start3A_14 = tpu.memref_slice %arg6[%dma_start3A, %dma_start3A_13] : memref<8x64xf32, #tpu.memory_space<vmem>> -> memref<1x64xf32, #tpu.memory_space<vmem>>
    %dma_start3A_15 = tpu.memref_squeeze %dma_start3A_14 : memref<1x64xf32, #tpu.memory_space<vmem>> -> memref<64xf32, #tpu.memory_space<vmem>>
    %dma_start3A_16 = arith.constant 0 : i32
    %dma_start3A_17 = tpu.memref_slice %arg2[%squeeze3A, %dma_start3A_16] : memref<100000x64xf32, #tpu.memory_space<hbm>> -> memref<1x64xf32, #tpu.memory_space<hbm>>
    %dma_start3A_18 = tpu.memref_squeeze %dma_start3A_17 : memref<1x64xf32, #tpu.memory_space<hbm>> -> memref<64xf32, #tpu.memory_space<hbm>>
    tpu.enqueue_dma source(%dma_start3A_18 : memref<64xf32, #tpu.memory_space<hbm>>) target(%dma_start3A_15 : memref<64xf32, #tpu.memory_space<vmem>>) target_semaphore(%arg7 : memref<!tpu.dma_semaphore, #tpu.memory_space<semaphore_mem>>)
    %slice3A_19 = vector.extract_strided_slice %get3A_6 {offsets = [1], sizes = [1], strides = [1]} : vector<16xi32> to vector<1xi32>
    %squeeze3A_20 = vector.extract %slice3A_19[0] : i32 from vector<1xi32>
    %dma_start3A_21 = arith.constant 1 : i32
    %dma_start3A_22 = arith.constant 0 : i32
    %dma_start3A_23 = tpu.memref_slice %arg6[%dma_start3A_21, %dma_start3A_22] : memref<8x64xf32, #tpu.memory_space<vmem>> -> memref<1x64xf32, #tpu.memory_space<vmem>>
    %dma_start3A_24 = tpu.memref_squeeze %dma_start3A_23 : memref<1x64xf32, #tpu.memory_space<vmem>> -> memref<64xf32, #tpu.memory_space<vmem>>
    %dma_start3A_25 = arith.constant 0 : i32
    %dma_start3A_26 = tpu.memref_slice %arg2[%squeeze3A_20, %dma_start3A_25] : memref<100000x64xf32, #tpu.memory_space<hbm>> -> memref<1x64xf32, #tpu.memory_space<hbm>>
    %dma_start3A_27 = tpu.memref_squeeze %dma_start3A_26 : memref<1x64xf32, #tpu.memory_space<hbm>> -> memref<64xf32, #tpu.memory_space<hbm>>
    %dma_start3A_28 = arith.constant 0 : i32
    %dma_start3A_29 = tpu.memref_slice %arg6[%dma_start3A_21, %dma_start3A_28] : memref<8x64xf32, #tpu.memory_space<vmem>> -> memref<1x64xf32, #tpu.memory_space<vmem>>
    %dma_start3A_30 = tpu.memref_squeeze %dma_start3A_29 : memref<1x64xf32, #tpu.memory_space<vmem>> -> memref<64xf32, #tpu.memory_space<vmem>>
    %dma_start3A_31 = arith.constant 0 : i32
    %dma_start3A_32 = tpu.memref_slice %arg2[%squeeze3A_20, %dma_start3A_31] : memref<100000x64xf32, #tpu.memory_space<hbm>> -> memref<1x64xf32, #tpu.memory_space<hbm>>
    %dma_start3A_33 = tpu.memref_squeeze %dma_start3A_32 : memref<1x64xf32, #tpu.memory_space<hbm>> -> memref<64xf32, #tpu.memory_space<hbm>>
    tpu.enqueue_dma source(%dma_start3A_33 : memref<64xf32, #tpu.memory_space<hbm>>) target(%dma_start3A_30 : memref<64xf32, #tpu.memory_space<vmem>>) target_semaphore(%arg7 : memref<!tpu.dma_semaphore, #tpu.memory_space<semaphore_mem>>)
    %slice3A_34 = vector.extract_strided_slice %get3A_6 {offsets = [2], sizes = [1], strides = [1]} : vector<16xi32> to vector<1xi32>
    %squeeze3A_35 = vector.extract %slice3A_34[0] : i32 from vector<1xi32>
    %dma_start3A_36 = arith.constant 2 : i32
    %dma_start3A_37 = arith.constant 0 : i32
    %dma_start3A_38 = tpu.memref_slice %arg6[%dma_start3A_36, %dma_start3A_37] : memref<8x64xf32, #tpu.memory_space<vmem>> -> memref<1x64xf32, #tpu.memory_space<vmem>>
    %dma_start3A_39 = tpu.memref_squeeze %dma_start3A_38 : memref<1x64xf32, #tpu.memory_space<vmem>> -> memref<64xf32, #tpu.memory_space<vmem>>
    %dma_start3A_40 = arith.constant 0 : i32
    %dma_start3A_41 = tpu.memref_slice %arg2[%squeeze3A_35, %dma_start3A_40] : memref<100000x64xf32, #tpu.memory_space<hbm>> -> memref<1x64xf32, #tpu.memory_space<hbm>>
    %dma_start3A_42 = tpu.memref_squeeze %dma_start3A_41 : memref<1x64xf32, #tpu.memory_space<hbm>> -> memref<64xf32, #tpu.memory_space<hbm>>
    %dma_start3A_43 = arith.constant 0 : i32
    %dma_start3A_44 = tpu.memref_slice %arg6[%dma_start3A_36, %dma_start3A_43] : memref<8x64xf32, #tpu.memory_space<vmem>> -> memref<1x64xf32, #tpu.memory_space<vmem>>
    %dma_start3A_45 = tpu.memref_squeeze %dma_start3A_44 : memref<1x64xf32, #tpu.memory_space<vmem>> -> memref<64xf32, #tpu.memory_space<vmem>>
    %dma_start3A_46 = arith.constant 0 : i32
    %dma_start3A_47 = tpu.memref_slice %arg2[%squeeze3A_35, %dma_start3A_46] : memref<100000x64xf32, #tpu.memory_space<hbm>> -> memref<1x64xf32, #tpu.memory_space<hbm>>
    %dma_start3A_48 = tpu.memref_squeeze %dma_start3A_47 : memref<1x64xf32, #tpu.memory_space<hbm>> -> memref<64xf32, #tpu.memory_space<hbm>>
    tpu.enqueue_dma source(%dma_start3A_48 : memref<64xf32, #tpu.memory_space<hbm>>) target(%dma_start3A_45 : memref<64xf32, #tpu.memory_space<vmem>>) target_semaphore(%arg7 : memref<!tpu.dma_semaphore, #tpu.memory_space<semaphore_mem>>)
    %slice3A_49 = vector.extract_strided_slice %get3A_6 {offsets = [3], sizes = [1], strides = [1]} : vector<16xi32> to vector<1xi32>
    %squeeze3A_50 = vector.extract %slice3A_49[0] : i32 from vector<1xi32>
    %dma_start3A_51 = arith.constant 3 : i32
    %dma_start3A_52 = arith.constant 0 : i32
    %dma_start3A_53 = tpu.memref_slice %arg6[%dma_start3A_51, %dma_start3A_52] : memref<8x64xf32, #tpu.memory_space<vmem>> -> memref<1x64xf32, #tpu.memory_space<vmem>>
    %dma_start3A_54 = tpu.memref_squeeze %dma_start3A_53 : memref<1x64xf32, #tpu.memory_space<vmem>> -> memref<64xf32, #tpu.memory_space<vmem>>
    %dma_start3A_55 = arith.constant 0 : i32
    %dma_start3A_56 = tpu.memref_slice %arg2[%squeeze3A_50, %dma_start3A_55] : memref<100000x64xf32, #tpu.memory_space<hbm>> -> memref<1x64xf32, #tpu.memory_space<hbm>>
    %dma_start3A_57 = tpu.memref_squeeze %dma_start3A_56 : memref<1x64xf32, #tpu.memory_space<hbm>> -> memref<64xf32, #tpu.memory_space<hbm>>
    %dma_start3A_58 = arith.constant 0 : i32
    %dma_start3A_59 = tpu.memref_slice %arg6[%dma_start3A_51, %dma_start3A_58] : memref<8x64xf32, #tpu.memory_space<vmem>> -> memref<1x64xf32, #tpu.memory_space<vmem>>
    %dma_start3A_60 = tpu.memref_squeeze %dma_start3A_59 : memref<1x64xf32, #tpu.memory_space<vmem>> -> memref<64xf32, #tpu.memory_space<vmem>>
    %dma_start3A_61 = arith.constant 0 : i32
    %dma_start3A_62 = tpu.memref_slice %arg2[%squeeze3A_50, %dma_start3A_61] : memref<100000x64xf32, #tpu.memory_space<hbm>> -> memref<1x64xf32, #tpu.memory_space<hbm>>
    %dma_start3A_63 = tpu.memref_squeeze %dma_start3A_62 : memref<1x64xf32, #tpu.memory_space<hbm>> -> memref<64xf32, #tpu.memory_space<hbm>>
    tpu.enqueue_dma source(%dma_start3A_63 : memref<64xf32, #tpu.memory_space<hbm>>) target(%dma_start3A_60 : memref<64xf32, #tpu.memory_space<vmem>>) target_semaphore(%arg7 : memref<!tpu.dma_semaphore, #tpu.memory_space<semaphore_mem>>)
    %slice3A_64 = vector.extract_strided_slice %get3A_6 {offsets = [4], sizes = [1], strides = [1]} : vector<16xi32> to vector<1xi32>
    %squeeze3A_65 = vector.extract %slice3A_64[0] : i32 from vector<1xi32>
    %dma_start3A_66 = arith.constant 4 : i32
    %dma_start3A_67 = arith.constant 0 : i32
    %dma_start3A_68 = tpu.memref_slice %arg6[%dma_start3A_66, %dma_start3A_67] : memref<8x64xf32, #tpu.memory_space<vmem>> -> memref<1x64xf32, #tpu.memory_space<vmem>>
    %dma_start3A_69 = tpu.memref_squeeze %dma_start3A_68 : memref<1x64xf32, #tpu.memory_space<vmem>> -> memref<64xf32, #tpu.memory_space<vmem>>
    %dma_start3A_70 = arith.constant 0 : i32
    %dma_start3A_71 = tpu.memref_slice %arg2[%squeeze3A_65, %dma_start3A_70] : memref<100000x64xf32, #tpu.memory_space<hbm>> -> memref<1x64xf32, #tpu.memory_space<hbm>>
    %dma_start3A_72 = tpu.memref_squeeze %dma_start3A_71 : memref<1x64xf32, #tpu.memory_space<hbm>> -> memref<64xf32, #tpu.memory_space<hbm>>
    %dma_start3A_73 = arith.constant 0 : i32
    %dma_start3A_74 = tpu.memref_slice %arg6[%dma_start3A_66, %dma_start3A_73] : memref<8x64xf32, #tpu.memory_space<vmem>> -> memref<1x64xf32, #tpu.memory_space<vmem>>
    %dma_start3A_75 = tpu.memref_squeeze %dma_start3A_74 : memref<1x64xf32, #tpu.memory_space<vmem>> -> memref<64xf32, #tpu.memory_space<vmem>>
    %dma_start3A_76 = arith.constant 0 : i32
    %dma_start3A_77 = tpu.memref_slice %arg2[%squeeze3A_65, %dma_start3A_76] : memref<100000x64xf32, #tpu.memory_space<hbm>> -> memref<1x64xf32, #tpu.memory_space<hbm>>
    %dma_start3A_78 = tpu.memref_squeeze %dma_start3A_77 : memref<1x64xf32, #tpu.memory_space<hbm>> -> memref<64xf32, #tpu.memory_space<hbm>>
    tpu.enqueue_dma source(%dma_start3A_78 : memref<64xf32, #tpu.memory_space<hbm>>) target(%dma_start3A_75 : memref<64xf32, #tpu.memory_space<vmem>>) target_semaphore(%arg7 : memref<!tpu.dma_semaphore, #tpu.memory_space<semaphore_mem>>)
    %slice3A_79 = vector.extract_strided_slice %get3A_6 {offsets = [5], sizes = [1], strides = [1]} : vector<16xi32> to vector<1xi32>
    %squeeze3A_80 = vector.extract %slice3A_79[0] : i32 from vector<1xi32>
    %dma_start3A_81 = arith.constant 5 : i32
    %dma_start3A_82 = arith.constant 0 : i32
    %dma_start3A_83 = tpu.memref_slice %arg6[%dma_start3A_81, %dma_start3A_82] : memref<8x64xf32, #tpu.memory_space<vmem>> -> memref<1x64xf32, #tpu.memory_space<vmem>>
    %dma_start3A_84 = tpu.memref_squeeze %dma_start3A_83 : memref<1x64xf32, #tpu.memory_space<vmem>> -> memref<64xf32, #tpu.memory_space<vmem>>
    %dma_start3A_85 = arith.constant 0 : i32
    %dma_start3A_86 = tpu.memref_slice %arg2[%squeeze3A_80, %dma_start3A_85] : memref<100000x64xf32, #tpu.memory_space<hbm>> -> memref<1x64xf32, #tpu.memory_space<hbm>>
    %dma_start3A_87 = tpu.memref_squeeze %dma_start3A_86 : memref<1x64xf32, #tpu.memory_space<hbm>> -> memref<64xf32, #tpu.memory_space<hbm>>
    %dma_start3A_88 = arith.constant 0 : i32
    %dma_start3A_89 = tpu.memref_slice %arg6[%dma_start3A_81, %dma_start3A_88] : memref<8x64xf32, #tpu.memory_space<vmem>> -> memref<1x64xf32, #tpu.memory_space<vmem>>
    %dma_start3A_90 = tpu.memref_squeeze %dma_start3A_89 : memref<1x64xf32, #tpu.memory_space<vmem>> -> memref<64xf32, #tpu.memory_space<vmem>>
    %dma_start3A_91 = arith.constant 0 : i32
    %dma_start3A_92 = tpu.memref_slice %arg2[%squeeze3A_80, %dma_start3A_91] : memref<100000x64xf32, #tpu.memory_space<hbm>> -> memref<1x64xf32, #tpu.memory_space<hbm>>
    %dma_start3A_93 = tpu.memref_squeeze %dma_start3A_92 : memref<1x64xf32, #tpu.memory_space<hbm>> -> memref<64xf32, #tpu.memory_space<hbm>>
    tpu.enqueue_dma source(%dma_start3A_93 : memref<64xf32, #tpu.memory_space<hbm>>) target(%dma_start3A_90 : memref<64xf32, #tpu.memory_space<vmem>>) target_semaphore(%arg7 : memref<!tpu.dma_semaphore, #tpu.memory_space<semaphore_mem>>)
    %slice3A_94 = vector.extract_strided_slice %get3A_6 {offsets = [6], sizes = [1], strides = [1]} : vector<16xi32> to vector<1xi32>
    %squeeze3A_95 = vector.extract %slice3A_94[0] : i32 from vector<1xi32>
    %dma_start3A_96 = arith.constant 6 : i32
    %dma_start3A_97 = arith.constant 0 : i32
    %dma_start3A_98 = tpu.memref_slice %arg6[%dma_start3A_96, %dma_start3A_97] : memref<8x64xf32, #tpu.memory_space<vmem>> -> memref<1x64xf32, #tpu.memory_space<vmem>>
    %dma_start3A_99 = tpu.memref_squeeze %dma_start3A_98 : memref<1x64xf32, #tpu.memory_space<vmem>> -> memref<64xf32, #tpu.memory_space<vmem>>
    %dma_start3A_100 = arith.constant 0 : i32
    %dma_start3A_101 = tpu.memref_slice %arg2[%squeeze3A_95, %dma_start3A_100] : memref<100000x64xf32, #tpu.memory_space<hbm>> -> memref<1x64xf32, #tpu.memory_space<hbm>>
    %dma_start3A_102 = tpu.memref_squeeze %dma_start3A_101 : memref<1x64xf32, #tpu.memory_space<hbm>> -> memref<64xf32, #tpu.memory_space<hbm>>
    %dma_start3A_103 = arith.constant 0 : i32
    %dma_start3A_104 = tpu.memref_slice %arg6[%dma_start3A_96, %dma_start3A_103] : memref<8x64xf32, #tpu.memory_space<vmem>> -> memref<1x64xf32, #tpu.memory_space<vmem>>
    %dma_start3A_105 = tpu.memref_squeeze %dma_start3A_104 : memref<1x64xf32, #tpu.memory_space<vmem>> -> memref<64xf32, #tpu.memory_space<vmem>>
    %dma_start3A_106 = arith.constant 0 : i32
    %dma_start3A_107 = tpu.memref_slice %arg2[%squeeze3A_95, %dma_start3A_106] : memref<100000x64xf32, #tpu.memory_space<hbm>> -> memref<1x64xf32, #tpu.memory_space<hbm>>
    %dma_start3A_108 = tpu.memref_squeeze %dma_start3A_107 : memref<1x64xf32, #tpu.memory_space<hbm>> -> memref<64xf32, #tpu.memory_space<hbm>>
    tpu.enqueue_dma source(%dma_start3A_108 : memref<64xf32, #tpu.memory_space<hbm>>) target(%dma_start3A_105 : memref<64xf32, #tpu.memory_space<vmem>>) target_semaphore(%arg7 : memref<!tpu.dma_semaphore, #tpu.memory_space<semaphore_mem>>)
    %slice3A_109 = vector.extract_strided_slice %get3A_6 {offsets = [7], sizes = [1], strides = [1]} : vector<16xi32> to vector<1xi32>
    %squeeze3A_110 = vector.extract %slice3A_109[0] : i32 from vector<1xi32>
    %dma_start3A_111 = arith.constant 7 : i32
    %dma_start3A_112 = arith.constant 0 : i32
    %dma_start3A_113 = tpu.memref_slice %arg6[%dma_start3A_111, %dma_start3A_112] : memref<8x64xf32, #tpu.memory_space<vmem>> -> memref<1x64xf32, #tpu.memory_space<vmem>>
    %dma_start3A_114 = tpu.memref_squeeze %dma_start3A_113 : memref<1x64xf32, #tpu.memory_space<vmem>> -> memref<64xf32, #tpu.memory_space<vmem>>
    %dma_start3A_115 = arith.constant 0 : i32
    %dma_start3A_116 = tpu.memref_slice %arg2[%squeeze3A_110, %dma_start3A_115] : memref<100000x64xf32, #tpu.memory_space<hbm>> -> memref<1x64xf32, #tpu.memory_space<hbm>>
    %dma_start3A_117 = tpu.memref_squeeze %dma_start3A_116 : memref<1x64xf32, #tpu.memory_space<hbm>> -> memref<64xf32, #tpu.memory_space<hbm>>
    %dma_start3A_118 = arith.constant 0 : i32
    %dma_start3A_119 = tpu.memref_slice %arg6[%dma_start3A_111, %dma_start3A_118] : memref<8x64xf32, #tpu.memory_space<vmem>> -> memref<1x64xf32, #tpu.memory_space<vmem>>
    %dma_start3A_120 = tpu.memref_squeeze %dma_start3A_119 : memref<1x64xf32, #tpu.memory_space<vmem>> -> memref<64xf32, #tpu.memory_space<vmem>>
    %dma_start3A_121 = arith.constant 0 : i32
    %dma_start3A_122 = tpu.memref_slice %arg2[%squeeze3A_110, %dma_start3A_121] : memref<100000x64xf32, #tpu.memory_space<hbm>> -> memref<1x64xf32, #tpu.memory_space<hbm>>
    %dma_start3A_123 = tpu.memref_squeeze %dma_start3A_122 : memref<1x64xf32, #tpu.memory_space<hbm>> -> memref<64xf32, #tpu.memory_space<hbm>>
    tpu.enqueue_dma source(%dma_start3A_123 : memref<64xf32, #tpu.memory_space<hbm>>) target(%dma_start3A_120 : memref<64xf32, #tpu.memory_space<vmem>>) target_semaphore(%arg7 : memref<!tpu.dma_semaphore, #tpu.memory_space<semaphore_mem>>)
    %dma_wait3A = arith.constant 0 : i32
    %dma_wait3A_124 = arith.constant 0 : i32
    %dma_wait3A_125 = tpu.memref_slice %arg6[%dma_wait3A, %dma_wait3A_124] : memref<8x64xf32, #tpu.memory_space<vmem>> -> memref<1x64xf32, #tpu.memory_space<vmem>>
    %dma_wait3A_126 = tpu.memref_squeeze %dma_wait3A_125 : memref<1x64xf32, #tpu.memory_space<vmem>> -> memref<64xf32, #tpu.memory_space<vmem>>
    %dma_wait3A_127 = arith.constant 0 : i32
    %dma_wait3A_128 = tpu.memref_slice %arg2[%squeeze3A, %dma_wait3A_127] : memref<100000x64xf32, #tpu.memory_space<hbm>> -> memref<1x64xf32, #tpu.memory_space<hbm>>
    %dma_wait3A_129 = tpu.memref_squeeze %dma_wait3A_128 : memref<1x64xf32, #tpu.memory_space<hbm>> -> memref<64xf32, #tpu.memory_space<hbm>>
    %dma_wait3A_130 = arith.constant 0 : i32
    %dma_wait3A_131 = tpu.memref_slice %arg6[%dma_wait3A, %dma_wait3A_130] : memref<8x64xf32, #tpu.memory_space<vmem>> -> memref<1x64xf32, #tpu.memory_space<vmem>>
    %dma_wait3A_132 = tpu.memref_squeeze %dma_wait3A_131 : memref<1x64xf32, #tpu.memory_space<vmem>> -> memref<64xf32, #tpu.memory_space<vmem>>
    %dma_wait3A_133 = arith.constant 0 : i32
    %dma_wait3A_134 = tpu.memref_slice %arg2[%squeeze3A, %dma_wait3A_133] : memref<100000x64xf32, #tpu.memory_space<hbm>> -> memref<1x64xf32, #tpu.memory_space<hbm>>
    %dma_wait3A_135 = tpu.memref_squeeze %dma_wait3A_134 : memref<1x64xf32, #tpu.memory_space<hbm>> -> memref<64xf32, #tpu.memory_space<hbm>>
    tpu.wait_dma2 semaphore(%arg7 : memref<!tpu.dma_semaphore, #tpu.memory_space<semaphore_mem>>) src(%dma_wait3A_135 : memref<64xf32, #tpu.memory_space<hbm>>) dst(%dma_wait3A_132 : memref<64xf32, #tpu.memory_space<vmem>>)
    %dma_wait3A_136 = arith.constant 1 : i32
    %dma_wait3A_137 = arith.constant 0 : i32
    %dma_wait3A_138 = tpu.memref_slice %arg6[%dma_wait3A_136, %dma_wait3A_137] : memref<8x64xf32, #tpu.memory_space<vmem>> -> memref<1x64xf32, #tpu.memory_space<vmem>>
    %dma_wait3A_139 = tpu.memref_squeeze %dma_wait3A_138 : memref<1x64xf32, #tpu.memory_space<vmem>> -> memref<64xf32, #tpu.memory_space<vmem>>
    %dma_wait3A_140 = arith.constant 0 : i32
    %dma_wait3A_141 = tpu.memref_slice %arg2[%squeeze3A_20, %dma_wait3A_140] : memref<100000x64xf32, #tpu.memory_space<hbm>> -> memref<1x64xf32, #tpu.memory_space<hbm>>
    %dma_wait3A_142 = tpu.memref_squeeze %dma_wait3A_141 : memref<1x64xf32, #tpu.memory_space<hbm>> -> memref<64xf32, #tpu.memory_space<hbm>>
    %dma_wait3A_143 = arith.constant 0 : i32
    %dma_wait3A_144 = tpu.memref_slice %arg6[%dma_wait3A_136, %dma_wait3A_143] : memref<8x64xf32, #tpu.memory_space<vmem>> -> memref<1x64xf32, #tpu.memory_space<vmem>>
    %dma_wait3A_145 = tpu.memref_squeeze %dma_wait3A_144 : memref<1x64xf32, #tpu.memory_space<vmem>> -> memref<64xf32, #tpu.memory_space<vmem>>
    %dma_wait3A_146 = arith.constant 0 : i32
    %dma_wait3A_147 = tpu.memref_slice %arg2[%squeeze3A_20, %dma_wait3A_146] : memref<100000x64xf32, #tpu.memory_space<hbm>> -> memref<1x64xf32, #tpu.memory_space<hbm>>
    %dma_wait3A_148 = tpu.memref_squeeze %dma_wait3A_147 : memref<1x64xf32, #tpu.memory_space<hbm>> -> memref<64xf32, #tpu.memory_space<hbm>>
    tpu.wait_dma2 semaphore(%arg7 : memref<!tpu.dma_semaphore, #tpu.memory_space<semaphore_mem>>) src(%dma_wait3A_148 : memref<64xf32, #tpu.memory_space<hbm>>) dst(%dma_wait3A_145 : memref<64xf32, #tpu.memory_space<vmem>>)
    %dma_wait3A_149 = arith.constant 2 : i32
    %dma_wait3A_150 = arith.constant 0 : i32
    %dma_wait3A_151 = tpu.memref_slice %arg6[%dma_wait3A_149, %dma_wait3A_150] : memref<8x64xf32, #tpu.memory_space<vmem>> -> memref<1x64xf32, #tpu.memory_space<vmem>>
    %dma_wait3A_152 = tpu.memref_squeeze %dma_wait3A_151 : memref<1x64xf32, #tpu.memory_space<vmem>> -> memref<64xf32, #tpu.memory_space<vmem>>
    %dma_wait3A_153 = arith.constant 0 : i32
    %dma_wait3A_154 = tpu.memref_slice %arg2[%squeeze3A_35, %dma_wait3A_153] : memref<100000x64xf32, #tpu.memory_space<hbm>> -> memref<1x64xf32, #tpu.memory_space<hbm>>
    %dma_wait3A_155 = tpu.memref_squeeze %dma_wait3A_154 : memref<1x64xf32, #tpu.memory_space<hbm>> -> memref<64xf32, #tpu.memory_space<hbm>>
    %dma_wait3A_156 = arith.constant 0 : i32
    %dma_wait3A_157 = tpu.memref_slice %arg6[%dma_wait3A_149, %dma_wait3A_156] : memref<8x64xf32, #tpu.memory_space<vmem>> -> memref<1x64xf32, #tpu.memory_space<vmem>>
    %dma_wait3A_158 = tpu.memref_squeeze %dma_wait3A_157 : memref<1x64xf32, #tpu.memory_space<vmem>> -> memref<64xf32, #tpu.memory_space<vmem>>
    %dma_wait3A_159 = arith.constant 0 : i32
    %dma_wait3A_160 = tpu.memref_slice %arg2[%squeeze3A_35, %dma_wait3A_159] : memref<100000x64xf32, #tpu.memory_space<hbm>> -> memref<1x64xf32, #tpu.memory_space<hbm>>
    %dma_wait3A_161 = tpu.memref_squeeze %dma_wait3A_160 : memref<1x64xf32, #tpu.memory_space<hbm>> -> memref<64xf32, #tpu.memory_space<hbm>>
    tpu.wait_dma2 semaphore(%arg7 : memref<!tpu.dma_semaphore, #tpu.memory_space<semaphore_mem>>) src(%dma_wait3A_161 : memref<64xf32, #tpu.memory_space<hbm>>) dst(%dma_wait3A_158 : memref<64xf32, #tpu.memory_space<vmem>>)
    %dma_wait3A_162 = arith.constant 3 : i32
    %dma_wait3A_163 = arith.constant 0 : i32
    %dma_wait3A_164 = tpu.memref_slice %arg6[%dma_wait3A_162, %dma_wait3A_163] : memref<8x64xf32, #tpu.memory_space<vmem>> -> memref<1x64xf32, #tpu.memory_space<vmem>>
    %dma_wait3A_165 = tpu.memref_squeeze %dma_wait3A_164 : memref<1x64xf32, #tpu.memory_space<vmem>> -> memref<64xf32, #tpu.memory_space<vmem>>
    %dma_wait3A_166 = arith.constant 0 : i32
    %dma_wait3A_167 = tpu.memref_slice %arg2[%squeeze3A_50, %dma_wait3A_166] : memref<100000x64xf32, #tpu.memory_space<hbm>> -> memref<1x64xf32, #tpu.memory_space<hbm>>
    %dma_wait3A_168 = tpu.memref_squeeze %dma_wait3A_167 : memref<1x64xf32, #tpu.memory_space<hbm>> -> memref<64xf32, #tpu.memory_space<hbm>>
    %dma_wait3A_169 = arith.constant 0 : i32
    %dma_wait3A_170 = tpu.memref_slice %arg6[%dma_wait3A_162, %dma_wait3A_169] : memref<8x64xf32, #tpu.memory_space<vmem>> -> memref<1x64xf32, #tpu.memory_space<vmem>>
    %dma_wait3A_171 = tpu.memref_squeeze %dma_wait3A_170 : memref<1x64xf32, #tpu.memory_space<vmem>> -> memref<64xf32, #tpu.memory_space<vmem>>
    %dma_wait3A_172 = arith.constant 0 : i32
    %dma_wait3A_173 = tpu.memref_slice %arg2[%squeeze3A_50, %dma_wait3A_172] : memref<100000x64xf32, #tpu.memory_space<hbm>> -> memref<1x64xf32, #tpu.memory_space<hbm>>
    %dma_wait3A_174 = tpu.memref_squeeze %dma_wait3A_173 : memref<1x64xf32, #tpu.memory_space<hbm>> -> memref<64xf32, #tpu.memory_space<hbm>>
    tpu.wait_dma2 semaphore(%arg7 : memref<!tpu.dma_semaphore, #tpu.memory_space<semaphore_mem>>) src(%dma_wait3A_174 : memref<64xf32, #tpu.memory_space<hbm>>) dst(%dma_wait3A_171 : memref<64xf32, #tpu.memory_space<vmem>>)
    %dma_wait3A_175 = arith.constant 4 : i32
    %dma_wait3A_176 = arith.constant 0 : i32
    %dma_wait3A_177 = tpu.memref_slice %arg6[%dma_wait3A_175, %dma_wait3A_176] : memref<8x64xf32, #tpu.memory_space<vmem>> -> memref<1x64xf32, #tpu.memory_space<vmem>>
    %dma_wait3A_178 = tpu.memref_squeeze %dma_wait3A_177 : memref<1x64xf32, #tpu.memory_space<vmem>> -> memref<64xf32, #tpu.memory_space<vmem>>
    %dma_wait3A_179 = arith.constant 0 : i32
    %dma_wait3A_180 = tpu.memref_slice %arg2[%squeeze3A_65, %dma_wait3A_179] : memref<100000x64xf32, #tpu.memory_space<hbm>> -> memref<1x64xf32, #tpu.memory_space<hbm>>
    %dma_wait3A_181 = tpu.memref_squeeze %dma_wait3A_180 : memref<1x64xf32, #tpu.memory_space<hbm>> -> memref<64xf32, #tpu.memory_space<hbm>>
    %dma_wait3A_182 = arith.constant 0 : i32
    %dma_wait3A_183 = tpu.memref_slice %arg6[%dma_wait3A_175, %dma_wait3A_182] : memref<8x64xf32, #tpu.memory_space<vmem>> -> memref<1x64xf32, #tpu.memory_space<vmem>>
    %dma_wait3A_184 = tpu.memref_squeeze %dma_wait3A_183 : memref<1x64xf32, #tpu.memory_space<vmem>> -> memref<64xf32, #tpu.memory_space<vmem>>
    %dma_wait3A_185 = arith.constant 0 : i32
    %dma_wait3A_186 = tpu.memref_slice %arg2[%squeeze3A_65, %dma_wait3A_185] : memref<100000x64xf32, #tpu.memory_space<hbm>> -> memref<1x64xf32, #tpu.memory_space<hbm>>
    %dma_wait3A_187 = tpu.memref_squeeze %dma_wait3A_186 : memref<1x64xf32, #tpu.memory_space<hbm>> -> memref<64xf32, #tpu.memory_space<hbm>>
    tpu.wait_dma2 semaphore(%arg7 : memref<!tpu.dma_semaphore, #tpu.memory_space<semaphore_mem>>) src(%dma_wait3A_187 : memref<64xf32, #tpu.memory_space<hbm>>) dst(%dma_wait3A_184 : memref<64xf32, #tpu.memory_space<vmem>>)
    %dma_wait3A_188 = arith.constant 5 : i32
    %dma_wait3A_189 = arith.constant 0 : i32
    %dma_wait3A_190 = tpu.memref_slice %arg6[%dma_wait3A_188, %dma_wait3A_189] : memref<8x64xf32, #tpu.memory_space<vmem>> -> memref<1x64xf32, #tpu.memory_space<vmem>>
    %dma_wait3A_191 = tpu.memref_squeeze %dma_wait3A_190 : memref<1x64xf32, #tpu.memory_space<vmem>> -> memref<64xf32, #tpu.memory_space<vmem>>
    %dma_wait3A_192 = arith.constant 0 : i32
    %dma_wait3A_193 = tpu.memref_slice %arg2[%squeeze3A_80, %dma_wait3A_192] : memref<100000x64xf32, #tpu.memory_space<hbm>> -> memref<1x64xf32, #tpu.memory_space<hbm>>
    %dma_wait3A_194 = tpu.memref_squeeze %dma_wait3A_193 : memref<1x64xf32, #tpu.memory_space<hbm>> -> memref<64xf32, #tpu.memory_space<hbm>>
    %dma_wait3A_195 = arith.constant 0 : i32
    %dma_wait3A_196 = tpu.memref_slice %arg6[%dma_wait3A_188, %dma_wait3A_195] : memref<8x64xf32, #tpu.memory_space<vmem>> -> memref<1x64xf32, #tpu.memory_space<vmem>>
    %dma_wait3A_197 = tpu.memref_squeeze %dma_wait3A_196 : memref<1x64xf32, #tpu.memory_space<vmem>> -> memref<64xf32, #tpu.memory_space<vmem>>
    %dma_wait3A_198 = arith.constant 0 : i32
    %dma_wait3A_199 = tpu.memref_slice %arg2[%squeeze3A_80, %dma_wait3A_198] : memref<100000x64xf32, #tpu.memory_space<hbm>> -> memref<1x64xf32, #tpu.memory_space<hbm>>
    %dma_wait3A_200 = tpu.memref_squeeze %dma_wait3A_199 : memref<1x64xf32, #tpu.memory_space<hbm>> -> memref<64xf32, #tpu.memory_space<hbm>>
    tpu.wait_dma2 semaphore(%arg7 : memref<!tpu.dma_semaphore, #tpu.memory_space<semaphore_mem>>) src(%dma_wait3A_200 : memref<64xf32, #tpu.memory_space<hbm>>) dst(%dma_wait3A_197 : memref<64xf32, #tpu.memory_space<vmem>>)
    %dma_wait3A_201 = arith.constant 6 : i32
    %dma_wait3A_202 = arith.constant 0 : i32
    %dma_wait3A_203 = tpu.memref_slice %arg6[%dma_wait3A_201, %dma_wait3A_202] : memref<8x64xf32, #tpu.memory_space<vmem>> -> memref<1x64xf32, #tpu.memory_space<vmem>>
    %dma_wait3A_204 = tpu.memref_squeeze %dma_wait3A_203 : memref<1x64xf32, #tpu.memory_space<vmem>> -> memref<64xf32, #tpu.memory_space<vmem>>
    %dma_wait3A_205 = arith.constant 0 : i32
    %dma_wait3A_206 = tpu.memref_slice %arg2[%squeeze3A_95, %dma_wait3A_205] : memref<100000x64xf32, #tpu.memory_space<hbm>> -> memref<1x64xf32, #tpu.memory_space<hbm>>
    %dma_wait3A_207 = tpu.memref_squeeze %dma_wait3A_206 : memref<1x64xf32, #tpu.memory_space<hbm>> -> memref<64xf32, #tpu.memory_space<hbm>>
    %dma_wait3A_208 = arith.constant 0 : i32
    %dma_wait3A_209 = tpu.memref_slice %arg6[%dma_wait3A_201, %dma_wait3A_208] : memref<8x64xf32, #tpu.memory_space<vmem>> -> memref<1x64xf32, #tpu.memory_space<vmem>>
    %dma_wait3A_210 = tpu.memref_squeeze %dma_wait3A_209 : memref<1x64xf32, #tpu.memory_space<vmem>> -> memref<64xf32, #tpu.memory_space<vmem>>
    %dma_wait3A_211 = arith.constant 0 : i32
    %dma_wait3A_212 = tpu.memref_slice %arg2[%squeeze3A_95, %dma_wait3A_211] : memref<100000x64xf32, #tpu.memory_space<hbm>> -> memref<1x64xf32, #tpu.memory_space<hbm>>
    %dma_wait3A_213 = tpu.memref_squeeze %dma_wait3A_212 : memref<1x64xf32, #tpu.memory_space<hbm>> -> memref<64xf32, #tpu.memory_space<hbm>>
    tpu.wait_dma2 semaphore(%arg7 : memref<!tpu.dma_semaphore, #tpu.memory_space<semaphore_mem>>) src(%dma_wait3A_213 : memref<64xf32, #tpu.memory_space<hbm>>) dst(%dma_wait3A_210 : memref<64xf32, #tpu.memory_space<vmem>>)
    %dma_wait3A_214 = arith.constant 7 : i32
    %dma_wait3A_215 = arith.constant 0 : i32
    %dma_wait3A_216 = tpu.memref_slice %arg6[%dma_wait3A_214, %dma_wait3A_215] : memref<8x64xf32, #tpu.memory_space<vmem>> -> memref<1x64xf32, #tpu.memory_space<vmem>>
    %dma_wait3A_217 = tpu.memref_squeeze %dma_wait3A_216 : memref<1x64xf32, #tpu.memory_space<vmem>> -> memref<64xf32, #tpu.memory_space<vmem>>
    %dma_wait3A_218 = arith.constant 0 : i32
    %dma_wait3A_219 = tpu.memref_slice %arg2[%squeeze3A_110, %dma_wait3A_218] : memref<100000x64xf32, #tpu.memory_space<hbm>> -> memref<1x64xf32, #tpu.memory_space<hbm>>
    %dma_wait3A_220 = tpu.memref_squeeze %dma_wait3A_219 : memref<1x64xf32, #tpu.memory_space<hbm>> -> memref<64xf32, #tpu.memory_space<hbm>>
    %dma_wait3A_221 = arith.constant 0 : i32
    %dma_wait3A_222 = tpu.memref_slice %arg6[%dma_wait3A_214, %dma_wait3A_221] : memref<8x64xf32, #tpu.memory_space<vmem>> -> memref<1x64xf32, #tpu.memory_space<vmem>>
    %dma_wait3A_223 = tpu.memref_squeeze %dma_wait3A_222 : memref<1x64xf32, #tpu.memory_space<vmem>> -> memref<64xf32, #tpu.memory_space<vmem>>
    %dma_wait3A_224 = arith.constant 0 : i32
    %dma_wait3A_225 = tpu.memref_slice %arg2[%squeeze3A_110, %dma_wait3A_224] : memref<100000x64xf32, #tpu.memory_space<hbm>> -> memref<1x64xf32, #tpu.memory_space<hbm>>
    %dma_wait3A_226 = tpu.memref_squeeze %dma_wait3A_225 : memref<1x64xf32, #tpu.memory_space<hbm>> -> memref<64xf32, #tpu.memory_space<hbm>>
    tpu.wait_dma2 semaphore(%arg7 : memref<!tpu.dma_semaphore, #tpu.memory_space<semaphore_mem>>) src(%dma_wait3A_226 : memref<64xf32, #tpu.memory_space<hbm>>) dst(%dma_wait3A_223 : memref<64xf32, #tpu.memory_space<vmem>>)
    "tpu.region"() ({
      %run_scoped3A = tpu.sem_alloc : memref<!tpu.dma_semaphore, #tpu.memory_space<semaphore_mem>>
      %dma_start3A_227 = arith.constant 0 : i32
      %dma_start3A_228 = tpu.memref_slice %arg4[%mul3A_2, %dma_start3A_227] : memref<256x64xf32, #tpu.memory_space<hbm>> -> memref<8x64xf32, #tpu.memory_space<hbm>>
      %dma_start3A_229 = arith.constant 0 : i32
      %dma_start3A_230 = tpu.memref_slice %arg4[%mul3A_2, %dma_start3A_229] : memref<256x64xf32, #tpu.memory_space<hbm>> -> memref<8x64xf32, #tpu.memory_space<hbm>>
      tpu.enqueue_dma source(%arg6 : memref<8x64xf32, #tpu.memory_space<vmem>>) target(%dma_start3A_230 : memref<8x64xf32, #tpu.memory_space<hbm>>) target_semaphore(%run_scoped3A : memref<!tpu.dma_semaphore, #tpu.memory_space<semaphore_mem>>)
      %dma_wait3A_231 = arith.constant 0 : i32
      %dma_wait3A_232 = tpu.memref_slice %arg4[%mul3A_2, %dma_wait3A_231] : memref<256x64xf32, #tpu.memory_space<hbm>> -> memref<8x64xf32, #tpu.memory_space<hbm>>
      %dma_wait3A_233 = arith.constant 0 : i32
      %dma_wait3A_234 = tpu.memref_slice %arg4[%mul3A_2, %dma_wait3A_233] : memref<256x64xf32, #tpu.memory_space<hbm>> -> memref<8x64xf32, #tpu.memory_space<hbm>>
      tpu.wait_dma2 semaphore(%run_scoped3A : memref<!tpu.dma_semaphore, #tpu.memory_space<semaphore_mem>>) src(%arg6 : memref<8x64xf32, #tpu.memory_space<vmem>>) dst(%dma_wait3A_234 : memref<8x64xf32, #tpu.memory_space<hbm>>)
      tpu.yield
    }) : () -> ()
    return
  }
}

</mosaic_0001>

<sc_bundles>
// kernel: kernel.3.cloned.1.call-start
scs
__scs_entry_jumppad:
0x0: {  	(pc) =	sbr.rel $0x88, $3  }
0x1: {  	(tag) =	ssettag $0x0;
	lr =	simm.s32 $0x1  }
0x2: {  	[smem:$0x3F9F] =	sst lr;
	_ =	strace $0xD0000000  }
0x3: {  	_ = 	snop  }
0x4: {  	_ = 	snop  }
0x5: {  	_ = 	snop  }
0x6: {  	_ = 	snop  }
0x7: {  	_ = 	snop  }
__scs_overlays_trampoline_lowered:
0x8: {  	[smem:$0x3FAE] =	sst s0  }
0x9: {  	[smem:$0x3FAF] =	sst s1  }
0xa: {  	[smem:$0x3FB0] =	sst s2  }
0xb: {  	[smem:$0x3FB1] =	sst s3  }
0xc: {  	[smem:$0x3FB2] =	sst s4  }
0xd: {  	[smem:$0x3FB3] =	sst s5  }
0xe: {  	[smem:$0x3FB4] =	sst s6  }
0xf: {  	[smem:$0x3FB5] =	sst s7  }
0x10: {  	[smem:$0x3FB6] =	sst s8  }
0x11: {  	[smem:$0x3FB7] =	sst s9;
	s0 =	simm.s32 @!p0 $0x0  }
0x12: {  	s1 =	sld [smem:$0x3F9D];
	s0 =	simm.s32 @p0 $0x1  }
0x13: {  	[smem:$0x3FB8] =	sst s0;
	s0 =	simm.s32 @!p1 $0x0  }
0x14: {  	s2 =	sld [smem:$0x3F9C];
	s0 =	simm.s32 @p1 $0x1  }
0x15: {  	[smem:$0x3FB9] =	sst s0;
	s0 =	simm.s32 @!p2 $0x0  }
0x16: {  	s3 =	sld [smem:$0x3FDB];
	s0 =	simm.s32 @p2 $0x1  }
0x17: {  	s4 =	simm.s32 $0x1BF5;
	[smem:$0x3FBB] =	sst s0  }
0x18: {  	s0 =	sld [smem:$0x3F9E];
	_ =	swait.ge [sflag:s4], $0x0  }
0x19: {  	s7 =	sld [smem:$0x3F9F]  }
0x1a: {  	s8 =	sadd.s32 $0xFFFFE003, lr  }
0x1b: {  	s9 =	sadd.s32 $0xFFFFFEF7, lr;
	s5 =	simm.s32 $0xFFFFFFFF;
	p2 =	slt.u32 s8, $0xFFFFF086  }
0x1c: {  	p1 =	slt.u32 s9, $0xF7A;
	s5 =	simm.s32 @!p2 $0x0  }
0x1d: {  	s5 =	simm.s32 @p1 $0x1;
	p0 =	seq.s32 s7, s2  }
0x1e: {  	s7 =	smul.u32 @!p0 $0xF7A, s2;
	p2 =	seq.s32 @!p0 s5, $0x0  }
0x1f: {  	s9 =	smul.u32 $0xF7A, s1;
	s8 =	simm.s32 @!p0 $0x1BF5;
	p2 =	por !p2, p0  }
0x20: {  	[sflag:s8] =	ssyncset.s32 @!p0 $0xFFFFF086;
	s6 =	sadd.s32 @!p0 s3, s7;
	s7 =	simm.s32 @!p0 $0x108  }
0x21: {  	s3 =	sadd.s32 s3, s9;
	s6 =	sadd.s32 @!p0 $0x88, s6;
	s7 =	simm.s32 @p2 $0x1082  }
0x22: {  	[simem:s7], [sflag:s8] =	dma.local @!p0 [hbm:s6], $0xF7A  }
0x23: {  	s9 =	sor.u32 $0xD0000000, s2;
	s6 =	simm.s32 $0x108;
	_ =	swait.ge @!p0 [sflag:s8], $0x0  }
0x24: {  	s3 =	sadd.s32 $0x88, s3;
	s6 =	simm.s32 @!p1 $0x1082;
	[sflag:s4] =	ssyncset.s32 $0xFFFFF086  }
0x25: {  	[simem:s6], [sflag:s4] =	dma.local [hbm:s3], $0xF7A  }
0x26: {  	[smem:$0x3F9F] =	sst s1;
	(tag) =	ssettag s2;
	_ =	strace s9  }
0x27: {  	s1 =	sld [smem:$0x3FAF]  }
0x28: {  	s2 =	sld [smem:$0x3FB0]  }
0x29: {  	s4 =	sld [smem:$0x3FB2]  }
0x2a: {  	p0 =	seq.s32 s5, $0x0;
	s5 =	sld [smem:$0x3FB3]  }
0x2b: {  	s6 =	sld [smem:$0x3FB4]  }
0x2c: {  	s7 =	sld [smem:$0x3FB5]  }
0x2d: {  	s3 =	simm.s32 $0x108;
	s8 =	sld [smem:$0x3FB6]  }
0x2e: {  	s3 =	simm.s32 @!p0 $0x1082;
	s9 =	sld [smem:$0x3FB7]  }
0x2f: {  	lr =	sadd.s32 s0, s3;
	s0 =	sld [smem:$0x3FAE]  }
0x30: {  	s3 =	sld [smem:$0x3FB1]  }
0x31: {  	[smem:$0x3FBA] =	sst s10  }
0x32: {  	s10 =	sld [smem:$0x3FB8];
	_ =	sdelay $0x3  }
0x33: {  	p0 =	seq.s32 s10, $0x1;
	s10 =	sld [smem:$0x3FBA];
	_ =	sdelay $0x3  }
0x34: {  	[smem:$0x3FBA] =	sst s10  }
0x35: {  	s10 =	sld [smem:$0x3FB9];
	_ =	sdelay $0x3  }
0x36: {  	p1 =	seq.s32 s10, $0x1;
	s10 =	sld [smem:$0x3FBA];
	_ =	sdelay $0x3  }
0x37: {  	[smem:$0x3FBA] =	sst s10  }
0x38: {  	s10 =	sld [smem:$0x3FBB]  }
0x39: {  	_ = 	snop;
	(pc) =	sbr.ind lr, $3  }
0x3a: {  	_ = 	snop  }
0x3b: {  	_ = 	snop  }
0x3c: {  	p2 =	seq.s32 s10, $0x1;
	s10 =	sld [smem:$0x3FBA]  }
0x3d: {  	_ =	shalt  }
0x3e: {  	_ =	shalt  }
0x3f: {  	_ =	shalt  }
0x40: {  	_ =	shalt  }
0x41: {  	_ =	shalt  }
0x42: {  	_ =	shalt  }
0x43: {  	_ =	shalt  }
0x44: {  	_ =	shalt  }
0x45: {  	_ =	shalt  }
0x46: {  	_ =	shalt  }
0x47: {  	_ =	shalt  }
0x48: {  	_ =	shalt  }
0x49: {  	_ =	shalt  }
0x4a: {  	_ =	shalt  }
0x4b: {  	_ =	shalt  }
0x4c: {  	_ =	shalt  }
0x4d: {  	_ =	shalt  }
0x4e: {  	_ =	shalt  }
0x4f: {  	_ =	shalt  }
0x50: {  	_ =	shalt  }
0x51: {  	_ =	shalt  }
0x52: {  	_ =	shalt  }
0x53: {  	_ =	shalt  }
0x54: {  	_ =	shalt  }
0x55: {  	_ =	shalt  }
0x56: {  	_ =	shalt  }
0x57: {  	_ =	shalt  }
0x58: {  	_ =	shalt  }
0x59: {  	_ =	shalt  }
0x5a: {  	_ =	shalt  }
0x5b: {  	_ =	shalt  }
0x5c: {  	_ =	shalt  }
0x5d: {  	_ =	shalt  }
0x5e: {  	_ =	shalt  }
0x5f: {  	_ =	shalt  }
0x60: {  	_ =	shalt  }
0x61: {  	_ =	shalt  }
0x62: {  	_ =	shalt  }
0x63: {  	_ =	shalt  }
0x64: {  	_ =	shalt  }
0x65: {  	_ =	shalt  }
0x66: {  	_ =	shalt  }
0x67: {  	_ =	shalt  }
0x68: {  	_ =	shalt  }
0x69: {  	_ =	shalt  }
0x6a: {  	_ =	shalt  }
0x6b: {  	_ =	shalt  }
0x6c: {  	_ =	shalt  }
0x6d: {  	_ =	shalt  }
0x6e: {  	_ =	shalt  }
0x6f: {  	_ =	shalt  }
0x70: {  	_ =	shalt  }
0x71: {  	_ =	shalt  }
0x72: {  	_ =	shalt  }
0x73: {  	_ =	shalt  }
0x74: {  	_ =	shalt  }
0x75: {  	_ =	shalt  }
0x76: {  	_ =	shalt  }
0x77: {  	_ =	shalt  }
0x78: {  	_ =	shalt  }
0x79: {  	_ =	shalt  }
0x7a: {  	_ =	shalt  }
0x7b: {  	_ =	shalt  }
0x7c: {  	_ =	shalt  }
0x7d: {  	_ =	shalt  }
0x7e: {  	_ =	shalt  }
0x7f: {  	_ =	shalt  }
0x80: {  	_ =	shalt  }
0x81: {  	_ =	shalt  }
0x82: {  	_ =	shalt  }
0x83: {  	_ =	shalt  }
0x84: {  	_ =	shalt  }
0x85: {  	_ =	shalt  }
0x86: {  	_ =	shalt  }
0x87: {  	_ =	shalt  }
.Lfunc_end0:
.L_simem_size_0:
called_computation_lowered:
.L_overlay_start_0:
0x88: {  	s2 =	sld [smem:$0x3FD9]  }
0x89: {  	s3 =	sld [smem:$0x3FFE];
	_ =	sdelay $0x1  }
0x8a: {  	s1 =	srdreg.scid  }
0x8b: {  	s0 =	sand.u32 $0x1, s1  }
0x8c: {  	s17 =	sshll.u32 s0, $0xA;
	s2 =	sadd.s32 s3, s2  }
0x8d: {  	s2 =	sadd.s32 s2, s17  }
0x8e: {  	[smem:$0x3FC6] =	sst s2  }
0x8f: {  	_ = 	snop  }
0x90: {  	s2 =	sld [smem:$0x3FD0];
	(tm) =	ssettm $0x1  }
0x91: {  	s18 =	sld [smem:$0x3FFB];
	_ =	sdelay $0x3  }
0x92: {  	_ =	strace s18  }
0x93: {  	s3 =	sld [smem:$0x3FFC];
	_ =	sdelay $0x3  }
0x94: {  	_ =	strace s3  }
0x95: {  	s3 =	sld [smem:$0x3FFD];
	_ =	sdelay $0x3  }
0x96: {  	_ =	strace s3  }
0x97: {  	_ =	strace $0x8FFFFFFF  }
0x98: {  	s19 =	sld [smem:$0x3FDB];
	_ =	sdelay $0x1  }
0x99: {  	s4 =	simm.s32 $_scs_section_size  }
0x9a: {  	s5 =	simm.s32 $_size__tile_overlayer_lowered;
	s6 =	simm.s32 $_tile_overlayer_lowered  }
0x9b: {  	s22 =	simm.s32 $0x1BFF;
	s21 =	sshll.u32 s6, $0x1;
	s3 =	sadd.s32 s4, s19  }
0x9c: {  	s7 =	simm.s32 $0x0;
	s20 =	sshll.u32 s5, $0x1;
	s5 =	sadd.s32 s21, s3  }
0x9d: {  	[timem:s7], [sflag:s22] =	dma.local [hbm:s5], s20  }
0x9e: {  	_ =	swait.ge [sflag:s22], s20  }
0x9f: {  	s4 =	ssub.s32 $0x0, s20;
	[sflag:s22] =	ssyncset.done $0x0  }
0xa0: {  	[sflag:s22] =	ssyncadd.s32 s4;
	_ =	sdelay $0x1  }
0xa1: {  	s23 =	simm.s32 $0x1B8B  }
0xa2: {  	_ =	swait.ge [sflag:s23], $0x1  }
0xa3: {  	[sflag:s23] =	ssyncset.done $0x0  }
0xa4: {  	s25 =	simm.s32 $0x1B8E;
	s24 =	sld [smem:$0x3FFE];
	[sflag:s23] =	ssyncadd.s32 $0xFFFFFFFF  }
0xa5: {  	s26 =	simm.s32 $execute0_lowered;
	[smem:$0x3FD2] =	sst s25  }
0xa6: {  	s5 =	sshll.u32 s26, $0x1;
	_ =	strace $0x80000046;
	[dreg:$0x1] =	wrdreg $0xFFFFFFFF  }
0xa7: {  	s28 =	simm.s32 $_size_execute0_lowered;
	s3 =	sadd.s32 s3, s5;
	[dreg:$0x0] =	wrdreg $0x0  }
0xa8: {  	s5 =	sshll.u32 s28, $0x1;
	[dreg:$0x2] =	wrdreg s3  }
0xa9: {  	[dreg:$0x3] =	wrdreg s5  }
0xaa: {  	[dreg:$0x4] =	wrdreg $0xC0  }
0xab: {  	_ =	task [dreg:s7], $0x5FFFF  }
0xac: {  	[dreg:$0x1] =	wrdreg $0xFFFFFFFF  }
0xad: {  	[dreg:$0x0] =	wrdreg $0x60  }
0xae: {  	[dreg:$0x2] =	wrdreg s24  }
0xaf: {  	[dreg:$0x3] =	wrdreg s2  }
0xb0: {  	[dreg:$0x4] =	wrdreg $0x9  }
0xb1: {  	_ =	task.clear_ibuf [dreg:s7], $0x5FFFF;
	_ =	strace $0x90000046  }
0xb2: {  	s29 =	simm.s32 $0x9;
	_ =	strace $0x80000048  }
0xb3: {  	_ =	swait.ge [sflag:s29], $0x1  }
0xb4: {  	[sflag:s29] =	ssyncadd.s32 $0xFFFFFFFF  }
0xb5: {  	_ =	strace $0x90000048  }
0xb6: {  	_ =	sfence  }
0xb7: {  	s30 =	sld [smem:$0x0];
	_ =	sdelay $0x2  }
0xb8: {  	s31 =	sshll.u32 s1, $0xD;
	s1 =	sshrl.u32 s1, $0x2  }
0xb9: {  	s3 =	sand.u32 $0x4000, s31;
	s1 =	sadd.s32 s1, s30  }
0xba: {  	s0 =	sor.u32 s3, s0;
	s1 =	sshll.u32 s1, $0x11  }
0xbb: {  	s0 =	sor.u32 s1, s0  }
0xbc: {  	s0 =	sadd.s32 $0x8F2B, s0  }
0xbd: {  	[sflag:s0] =	ssyncadd.remote.s32 $0x1  }
0xbe: {  	_ =	sfence.sel $0xFFFF  }
0xbf: {  	[dreg:$0x0] =	wrdreg $0xFFFFFFFF;
	(pc) =	sbr.abs _section_cstart, $3  }
0xc0: {  	[dreg:$0x1] =	wrdreg $0xFFFFFFFF  }
0xc1: {  	_ =	task.clear_ibuf [dreg:s7], $0x2FFFF;
	_ =	strace $0x9FFFFFFF  }
0xc2: {  	(tm) =	ssettm $0x7FFFFFFF  }
0xc3: {  	_ =	shalt  }
tec
execute0_lowered:
.L_overlay_start_1:
0x0: {  	(tag) =	ssettag $0x1  }
0x1: {  	s3 =	rddreg [dreg:$0x0]  }
0x2: {  	s4 =	rddreg [dreg:$0x1]  }
0x3: {  	s0 =	rddreg [dreg:$0x2];
	s5 =	srdreg.scid;
	s2 =	simm.s32 $0x0  }
0x4: {  	s1 =	stileid.u32;
	s28 =	simm.s32 $0x100;
	s29 =	simm.s32 $0x180  }
0x5: {  	s30 =	simm.s32 $0x200;
	s31 =	simm.s32 $0x280;
	s5 =	sand.u32 $0x1, s5  }
0x6: {  	[smem:$0x7FF] =	sst s2;
	s7 =	sshll.u32 s5, $0x7;
	s5 =	ssub.s32 $0x2, s5  }
0x7: {  	_ =	strace $0x80000047;
	[dreg:$0x4] =	wrdreg s28;
	s8 =	sshrl.u32 s5, $0x1  }
0x8: {  	s10 =	simm.s32 $0x300;
	[dreg:$0x5] =	wrdreg s29;
	s5 =	ssub.s32 s5, s8  }
0x9: {  	p0 =	por $0x0, $0x0;
	[dreg:$0x6] =	wrdreg s30;
	s11 =	smax.u32 s5, $0x1  }
0xa: {  	s6 =	sshll.u32 s1, $0x8;
	[dreg:$0x7] =	wrdreg s31;
	p1 =	sne.s32 s11, $0x1  }
.Ltmp0:
0xb: {  	s6 =	sor.u32 s7, s6;
	s7 =	sadd.s32 $0x400, s3;
	(pc) =	sbr.rel @!p1 .LBB2_3-.Ltmp0, $4  }
0xc: {  	s9 =	sshrl.u32 s6, $0x3;
	s3 =	sadd.s32 s6, s3;
	s8 =	simm.s32 $0x400  }
0xd: {  	s6 =	simm.s32 $0x1;
	s4 =	sadd.s32 s4, s9;
	s3 =	sadd.s32 $0x186E00, s3  }
0xe: {  	s5 =	simm.s32 $0x80;
	s9 =	simm.s32 $0x380;
	[dreg:$0x3] =	wrdreg s4  }
0xf: {  	s4 =	simm.s32 $0x2;
	s11 =	sadd.s32 $0xFFFFFFFF, s11;
	s12 =	rddreg [dreg:$0x3]  }
0x10: {  	[tilespmem:s2], [sflag:$0x2] =	stream.linear.gather [hbm4b:s12+s2], $0x80, $0x38;
	[tilespmem:$0x480] =	vst v63  }
0x11: {  	_ =	swait.ge [sflag:s4], $0x80  }
0x12: {  	[sflag:s4] =	ssyncset.done $0x0  }
0x13: {  	[sflag:s4] =	ssyncadd.s32 $0xFFFFFF80  }
0x14: {  	v0 =	vld [tilespmem:$0x0];
	_ =	sdelay $0x4  }
0x15: {  	v0 =	vshll.u32 v0, $0x4  }
0x16: {  	(v2sf) =	vpush v0, $0x0  }
0x17: {  	(v2sf) =	vpush v0, $0x1  }
0x18: {  	(v2sf) =	vpush v0, $0x2;
	_ =	sdelay $0x1  }
0x19: {  	(v2sf) =	vpush v0, $0x3;
	_ =	sdelay $0x1  }
0x1a: {  	(v2sf) =	vpush v0, $0x4;
	_ =	sdelay $0x1  }
0x1b: {  	(v2sf) =	vpush v0, $0x5;
	_ =	sdelay $0x1  }
0x1c: {  	(v2sf) =	vpush v0, $0x6;
	_ =	sdelay $0x1  }
0x1d: {  	(v2sf) =	vpush v0, $0x7  }
0x1e: {  	s28 =	rddreg [dreg:$0x7]  }
0x1f: {  	s13 =	rddreg [dreg:$0x6]  }
0x20: {  	s14 =	rddreg [dreg:$0x5];
	s15 =	spop (v2sf)  }
0x21: {  	s16 =	rddreg [dreg:$0x4];
	s15 =	sand.u32 $0x1FFFFFF0, s15;
	s17 =	spop (v2sf)  }
0x22: {  	s15 =	sadd.s32 s7, s15;
	s17 =	sand.u32 $0x1FFFFFF0, s17;
	s18 =	spop (v2sf)  }
0x23: {  	[tilespmem:s5], [sflag:$0x1] =	stream.linear.gather [hbm4b:s15+s2], $0x80, $0x38;
	[tilespmem:$0x480] =	vst v63  }
0x24: {  	s29 =	sadd.s32 s7, s17;
	s30 =	sand.u32 $0x1FFFFFF0, s18;
	s31 =	spop (v2sf)  }
0x25: {  	[tilespmem:s16], [sflag:$0x1] =	stream.linear.gather [hbm4b:s29+s2], $0x80, $0x38;
	[tilespmem:$0x480] =	vst v63  }
0x26: {  	s17 =	sand.u32 $0x1FFFFFF0, s31;
	s18 =	spop (v2sf);
	s16 =	sadd.s32 s7, s30  }
0x27: {  	[tilespmem:s14], [sflag:$0x1] =	stream.linear.gather [hbm4b:s16+s2], $0x80, $0x38;
	[tilespmem:$0x480] =	vst v63  }
0x28: {  	s19 =	sadd.s32 s7, s17;
	s20 =	sand.u32 $0x1FFFFFF0, s18;
	s21 =	spop (v2sf)  }
0x29: {  	[tilespmem:s13], [sflag:$0x1] =	stream.linear.gather [hbm4b:s19+s2], $0x80, $0x38;
	[tilespmem:$0x480] =	vst v63  }
0x2a: {  	s22 =	sadd.s32 s7, s20;
	s23 =	sand.u32 $0x1FFFFFF0, s21;
	s24 =	spop (v2sf)  }
0x2b: {  	[tilespmem:s28], [sflag:$0x1] =	stream.linear.gather [hbm4b:s22+s2], $0x80, $0x38;
	[tilespmem:$0x480] =	vst v63  }
0x2c: {  	s25 =	sadd.s32 s7, s23;
	s26 =	sand.u32 $0x1FFFFFF0, s24;
	s28 =	spop (v2sf)  }
0x2d: {  	[tilespmem:s10], [sflag:$0x1] =	stream.linear.gather [hbm4b:s25+s2], $0x80, $0x38;
	[tilespmem:$0x480] =	vst v63  }
0x2e: {  	s29 =	sadd.s32 s7, s26;
	s30 =	sand.u32 $0x1FFFFFF0, s28  }
0x2f: {  	[tilespmem:s9], [sflag:$0x1] =	stream.linear.gather [hbm4b:s29+s2], $0x80, $0x38;
	[tilespmem:$0x480] =	vst v63  }
0x30: {  	s31 =	sadd.s32 s7, s30  }
0x31: {  	[tilespmem:s8], [sflag:$0x1] =	stream.linear.gather [hbm4b:s31+s2], $0x80, $0x38;
	[tilespmem:$0x480] =	vst v63  }
0x32: {  	_ =	swait.ge [sflag:s6], $0x80  }
0x33: {  	[sflag:s6] =	ssyncset.done $0x0  }
0x34: {  	[sflag:s6] =	ssyncadd.s32 $0xFFFFFF80  }
0x35: {  	_ =	swait.ge [sflag:s6], $0x80  }
0x36: {  	[sflag:s6] =	ssyncset.done $0x0  }
0x37: {  	[sflag:s6] =	ssyncadd.s32 $0xFFFFFF80  }
0x38: {  	_ =	swait.ge [sflag:s6], $0x80  }
0x39: {  	[sflag:s6] =	ssyncset.done $0x0  }
0x3a: {  	[sflag:s6] =	ssyncadd.s32 $0xFFFFFF80  }
0x3b: {  	_ =	swait.ge [sflag:s6], $0x80  }
0x3c: {  	[sflag:s6] =	ssyncset.done $0x0  }
0x3d: {  	[sflag:s6] =	ssyncadd.s32 $0xFFFFFF80  }
0x3e: {  	_ =	swait.ge [sflag:s6], $0x80  }
0x3f: {  	[sflag:s6] =	ssyncset.done $0x0  }
0x40: {  	[sflag:s6] =	ssyncadd.s32 $0xFFFFFF80  }
0x41: {  	_ =	swait.ge [sflag:s6], $0x80  }
0x42: {  	[sflag:s6] =	ssyncset.done $0x0  }
0x43: {  	[sflag:s6] =	ssyncadd.s32 $0xFFFFFF80  }
0x44: {  	_ =	swait.ge [sflag:s6], $0x80  }
0x45: {  	[sflag:s6] =	ssyncset.done $0x0  }
0x46: {  	[sflag:s6] =	ssyncadd.s32 $0xFFFFFF80  }
0x47: {  	p1 =	sne.s32 s11, $0x1;
	_ =	swait.ge [sflag:s6], $0x80  }
.Ltmp1:
0x48: {  	[sflag:s6] =	ssyncset.done $0x0;
	(pc) =	sbr.rel @!p1 .LBB2_3-.Ltmp1, $4  }
0x49: {  	[sflag:s6] =	ssyncadd.s32 $0xFFFFFF80  }
0x4a: {  	[hbm4b:s3+s2] =	stream.linear.scatter [tilespmem:s5], [sflag:$0x2], $0x400, $0x38;
	[tilespmem:$0x480] =	vst v63  }
0x4b: {  	s11 =	sadd.s32 $0xFFFFFFFF, s11;
	_ =	swait.ge [sflag:s4], $0x400  }
0x4c: {  	p0 =	por $0x1, $0x1;
	s12 =	rddreg [dreg:$0x3];
	[sflag:s4] =	ssyncset.done $0x0  }
.LBB2_2:
0x4d: {  	[sflag:s4] =	ssyncadd.s32 $0xFFFFFC00  }
0x4e: {  	[tilespmem:s2], [sflag:$0x2] =	stream.linear.gather [hbm4b:s12+s2], $0x80, $0x38;
	[tilespmem:$0x480] =	vst v63  }
0x4f: {  	_ =	swait.ge [sflag:s4], $0x80  }
0x50: {  	[sflag:s4] =	ssyncset.done $0x0  }
0x51: {  	[sflag:s4] =	ssyncadd.s32 $0xFFFFFF80  }
0x52: {  	v0 =	vld [tilespmem:$0x0];
	_ =	sdelay $0x4  }
0x53: {  	v0 =	vshll.u32 v0, $0x4  }
0x54: {  	(v2sf) =	vpush v0, $0x0  }
0x55: {  	(v2sf) =	vpush v0, $0x1  }
0x56: {  	(v2sf) =	vpush v0, $0x2;
	_ =	sdelay $0x1  }
0x57: {  	(v2sf) =	vpush v0, $0x3;
	_ =	sdelay $0x1  }
0x58: {  	(v2sf) =	vpush v0, $0x4;
	_ =	sdelay $0x1  }
0x59: {  	(v2sf) =	vpush v0, $0x5;
	_ =	sdelay $0x1  }
0x5a: {  	(v2sf) =	vpush v0, $0x6;
	_ =	sdelay $0x1  }
0x5b: {  	(v2sf) =	vpush v0, $0x7  }
0x5c: {  	s28 =	rddreg [dreg:$0x7]  }
0x5d: {  	s13 =	rddreg [dreg:$0x6]  }
0x5e: {  	s14 =	rddreg [dreg:$0x5];
	s15 =	spop (v2sf)  }
0x5f: {  	s16 =	rddreg [dreg:$0x4];
	s15 =	sand.u32 $0x1FFFFFF0, s15;
	s17 =	spop (v2sf)  }
0x60: {  	s15 =	sadd.s32 s7, s15;
	s17 =	sand.u32 $0x1FFFFFF0, s17;
	s18 =	spop (v2sf)  }
0x61: {  	[tilespmem:s5], [sflag:$0x1] =	stream.linear.gather [hbm4b:s15+s2], $0x80, $0x38;
	[tilespmem:$0x480] =	vst v63  }
0x62: {  	s29 =	sadd.s32 s7, s17;
	s30 =	sand.u32 $0x1FFFFFF0, s18;
	s31 =	spop (v2sf)  }
0x63: {  	[tilespmem:s16], [sflag:$0x1] =	stream.linear.gather [hbm4b:s29+s2], $0x80, $0x38;
	[tilespmem:$0x480] =	vst v63  }
0x64: {  	s17 =	sand.u32 $0x1FFFFFF0, s31;
	s18 =	spop (v2sf);
	s16 =	sadd.s32 s7, s30  }
0x65: {  	[tilespmem:s14], [sflag:$0x1] =	stream.linear.gather [hbm4b:s16+s2], $0x80, $0x38;
	[tilespmem:$0x480] =	vst v63  }
0x66: {  	s19 =	sadd.s32 s7, s17;
	s20 =	sand.u32 $0x1FFFFFF0, s18;
	s21 =	spop (v2sf)  }
0x67: {  	[tilespmem:s13], [sflag:$0x1] =	stream.linear.gather [hbm4b:s19+s2], $0x80, $0x38;
	[tilespmem:$0x480] =	vst v63  }
0x68: {  	s22 =	sadd.s32 s7, s20;
	s23 =	sand.u32 $0x1FFFFFF0, s21;
	s24 =	spop (v2sf)  }
0x69: {  	[tilespmem:s28], [sflag:$0x1] =	stream.linear.gather [hbm4b:s22+s2], $0x80, $0x38;
	[tilespmem:$0x480] =	vst v63  }
0x6a: {  	s25 =	sadd.s32 s7, s23;
	s26 =	sand.u32 $0x1FFFFFF0, s24;
	s28 =	spop (v2sf)  }
0x6b: {  	[tilespmem:s10], [sflag:$0x1] =	stream.linear.gather [hbm4b:s25+s2], $0x80, $0x38;
	[tilespmem:$0x480] =	vst v63  }
0x6c: {  	s29 =	sadd.s32 s7, s26;
	s30 =	sand.u32 $0x1FFFFFF0, s28  }
0x6d: {  	[tilespmem:s9], [sflag:$0x1] =	stream.linear.gather [hbm4b:s29+s2], $0x80, $0x38;
	[tilespmem:$0x480] =	vst v63  }
0x6e: {  	s31 =	sadd.s32 s7, s30  }
0x6f: {  	[tilespmem:s8], [sflag:$0x1] =	stream.linear.gather [hbm4b:s31+s2], $0x80, $0x38;
	[tilespmem:$0x480] =	vst v63  }
0x70: {  	_ =	swait.ge [sflag:s6], $0x80  }
0x71: {  	[sflag:s6] =	ssyncset.done $0x0  }
0x72: {  	[sflag:s6] =	ssyncadd.s32 $0xFFFFFF80  }
0x73: {  	_ =	swait.ge [sflag:s6], $0x80  }
0x74: {  	[sflag:s6] =	ssyncset.done $0x0  }
0x75: {  	[sflag:s6] =	ssyncadd.s32 $0xFFFFFF80  }
0x76: {  	_ =	swait.ge [sflag:s6], $0x80  }
0x77: {  	[sflag:s6] =	ssyncset.done $0x0  }
0x78: {  	[sflag:s6] =	ssyncadd.s32 $0xFFFFFF80  }
0x79: {  	_ =	swait.ge [sflag:s6], $0x80  }
0x7a: {  	[sflag:s6] =	ssyncset.done $0x0  }
0x7b: {  	[sflag:s6] =	ssyncadd.s32 $0xFFFFFF80  }
0x7c: {  	_ =	swait.ge [sflag:s6], $0x80  }
0x7d: {  	[sflag:s6] =	ssyncset.done $0x0  }
0x7e: {  	[sflag:s6] =	ssyncadd.s32 $0xFFFFFF80  }
0x7f: {  	_ =	swait.ge [sflag:s6], $0x80  }
0x80: {  	[sflag:s6] =	ssyncset.done $0x0  }
0x81: {  	[sflag:s6] =	ssyncadd.s32 $0xFFFFFF80  }
0x82: {  	_ =	swait.ge [sflag:s6], $0x80  }
0x83: {  	[sflag:s6] =	ssyncset.done $0x0  }
0x84: {  	[sflag:s6] =	ssyncadd.s32 $0xFFFFFF80  }
0x85: {  	p1 =	sne.s32 s11, $0x1;
	_ =	swait.ge [sflag:s6], $0x80  }
.Ltmp2:
0x86: {  	[sflag:s6] =	ssyncset.done $0x0;
	(pc) =	sbr.rel @p1 .LBB2_2-.Ltmp2, $4  }
0x87: {  	[sflag:s6] =	ssyncadd.s32 $0xFFFFFF80  }
0x88: {  	[hbm4b:s3+s2] =	stream.linear.scatter [tilespmem:s5], [sflag:$0x2], $0x400, $0x38;
	[tilespmem:$0x480] =	vst v63  }
0x89: {  	_ =	swait.ge [sflag:s4], $0x400  }
0x8a: {  	s11 =	sadd.s32 $0xFFFFFFFF, s11;
	s12 =	rddreg [dreg:$0x3];
	[sflag:s4] =	ssyncset.done $0x0  }
.LBB2_3:
0x8b: {  	[sflag:s4] =	ssyncadd.s32 @p0 $0xFFFFFC00  }
0x8c: {  	[tilespmem:s2], [sflag:$0x2] =	stream.linear.gather [hbm4b:s12+s2], $0x80, $0x38;
	[tilespmem:$0x480] =	vst v63  }
0x8d: {  	_ =	swait.ge [sflag:s4], $0x80  }
0x8e: {  	[sflag:s4] =	ssyncset.done $0x0  }
0x8f: {  	[sflag:s4] =	ssyncadd.s32 $0xFFFFFF80  }
0x90: {  	v0 =	vld [tilespmem:$0x0];
	_ =	sdelay $0x4  }
0x91: {  	v0 =	vshll.u32 v0, $0x4  }
0x92: {  	(v2sf) =	vpush v0, $0x0  }
0x93: {  	(v2sf) =	vpush v0, $0x1  }
0x94: {  	(v2sf) =	vpush v0, $0x2;
	_ =	sdelay $0x1  }
0x95: {  	(v2sf) =	vpush v0, $0x3;
	_ =	sdelay $0x1  }
0x96: {  	(v2sf) =	vpush v0, $0x4;
	_ =	sdelay $0x1  }
0x97: {  	(v2sf) =	vpush v0, $0x5;
	_ =	sdelay $0x1  }
0x98: {  	(v2sf) =	vpush v0, $0x6;
	_ =	sdelay $0x1  }
0x99: {  	(v2sf) =	vpush v0, $0x7  }
0x9a: {  	s11 =	rddreg [dreg:$0x7]  }
0x9b: {  	s28 =	rddreg [dreg:$0x6]  }
0x9c: {  	s13 =	rddreg [dreg:$0x5];
	s14 =	spop (v2sf)  }
0x9d: {  	s15 =	rddreg [dreg:$0x4];
	s14 =	sand.u32 $0x1FFFFFF0, s14;
	s16 =	spop (v2sf)  }
0x9e: {  	s14 =	sadd.s32 s7, s14;
	s16 =	sand.u32 $0x1FFFFFF0, s16;
	s17 =	spop (v2sf)  }
0x9f: {  	[tilespmem:s5], [sflag:$0x1] =	stream.linear.gather [hbm4b:s14+s2], $0x80, $0x38;
	[tilespmem:$0x480] =	vst v63  }
0xa0: {  	s29 =	sadd.s32 s7, s16;
	s30 =	sand.u32 $0x1FFFFFF0, s17;
	s31 =	spop (v2sf)  }
0xa1: {  	[tilespmem:s15], [sflag:$0x1] =	stream.linear.gather [hbm4b:s29+s2], $0x80, $0x38;
	[tilespmem:$0x480] =	vst v63  }
0xa2: {  	s16 =	sadd.s32 s7, s30;
	s17 =	sand.u32 $0x1FFFFFF0, s31;
	s18 =	spop (v2sf)  }
0xa3: {  	[tilespmem:s13], [sflag:$0x1] =	stream.linear.gather [hbm4b:s16+s2], $0x80, $0x38;
	[tilespmem:$0x480] =	vst v63  }
0xa4: {  	s19 =	sadd.s32 s7, s17;
	s20 =	sand.u32 $0x1FFFFFF0, s18;
	s21 =	spop (v2sf)  }
0xa5: {  	[tilespmem:s28], [sflag:$0x1] =	stream.linear.gather [hbm4b:s19+s2], $0x80, $0x38;
	[tilespmem:$0x480] =	vst v63  }
0xa6: {  	s22 =	sadd.s32 s7, s20;
	s23 =	sand.u32 $0x1FFFFFF0, s21;
	s24 =	spop (v2sf)  }
0xa7: {  	[tilespmem:s11], [sflag:$0x1] =	stream.linear.gather [hbm4b:s22+s2], $0x80, $0x38;
	[tilespmem:$0x480] =	vst v63  }
0xa8: {  	s25 =	sadd.s32 s7, s23;
	s26 =	sand.u32 $0x1FFFFFF0, s24;
	s28 =	spop (v2sf)  }
0xa9: {  	[tilespmem:s10], [sflag:$0x1] =	stream.linear.gather [hbm4b:s25+s2], $0x80, $0x38;
	[tilespmem:$0x480] =	vst v63  }
0xaa: {  	s29 =	sadd.s32 s7, s26;
	s30 =	sand.u32 $0x1FFFFFF0, s28  }
0xab: {  	[tilespmem:s9], [sflag:$0x1] =	stream.linear.gather [hbm4b:s29+s2], $0x80, $0x38;
	[tilespmem:$0x480] =	vst v63  }
0xac: {  	s31 =	sadd.s32 s7, s30  }
0xad: {  	[tilespmem:s8], [sflag:$0x1] =	stream.linear.gather [hbm4b:s31+s2], $0x80, $0x38;
	[tilespmem:$0x480] =	vst v63  }
0xae: {  	_ =	swait.ge [sflag:s6], $0x80  }
0xaf: {  	[sflag:s6] =	ssyncset.done $0x0  }
0xb0: {  	[sflag:s6] =	ssyncadd.s32 $0xFFFFFF80  }
0xb1: {  	_ =	swait.ge [sflag:s6], $0x80  }
0xb2: {  	[sflag:s6] =	ssyncset.done $0x0  }
0xb3: {  	[sflag:s6] =	ssyncadd.s32 $0xFFFFFF80  }
0xb4: {  	_ =	swait.ge [sflag:s6], $0x80  }
0xb5: {  	[sflag:s6] =	ssyncset.done $0x0  }
0xb6: {  	[sflag:s6] =	ssyncadd.s32 $0xFFFFFF80  }
0xb7: {  	_ =	swait.ge [sflag:s6], $0x80  }
0xb8: {  	[sflag:s6] =	ssyncset.done $0x0  }
0xb9: {  	[sflag:s6] =	ssyncadd.s32 $0xFFFFFF80  }
0xba: {  	_ =	swait.ge [sflag:s6], $0x80  }
0xbb: {  	[sflag:s6] =	ssyncset.done $0x0  }
0xbc: {  	[sflag:s6] =	ssyncadd.s32 $0xFFFFFF80  }
0xbd: {  	_ =	swait.ge [sflag:s6], $0x80  }
0xbe: {  	[sflag:s6] =	ssyncset.done $0x0  }
0xbf: {  	[sflag:s6] =	ssyncadd.s32 $0xFFFFFF80  }
0xc0: {  	_ =	swait.ge [sflag:s6], $0x80  }
0xc1: {  	[sflag:s6] =	ssyncset.done $0x0  }
0xc2: {  	[sflag:s6] =	ssyncadd.s32 $0xFFFFFF80  }
0xc3: {  	_ =	swait.ge [sflag:s6], $0x80  }
0xc4: {  	[sflag:s6] =	ssyncset.done $0x0  }
0xc5: {  	[sflag:s6] =	ssyncadd.s32 $0xFFFFFF80  }
0xc6: {  	[hbm4b:s3+s2] =	stream.linear.scatter [tilespmem:s5], [sflag:$0x2], $0x400, $0x38;
	[tilespmem:$0x480] =	vst v63  }
0xc7: {  	_ =	swait.ge [sflag:s4], $0x400  }
0xc8: {  	[sflag:s4] =	ssyncset.done $0x0  }
0xc9: {  	[sflag:s4] =	ssyncadd.s32 $0xFFFFFC00  }
0xca: {  	_ =	sfence.sel $0x180000  }
0xcb: {  	[bflag:$0x0] =	sbarrier.arrive $0xFFFF  }
0xcc: {  	p0 =	sne.s32 s1, $0x0;
	_ =	strace $0x90000047  }
0xcd: {  	s0 =	sadd.s32 @!p0 $0x100000, s0;
	[bflag:$0x2] =	sbarrier.arrive $0xFFFF  }
0xce: {  	[sflag:s0] =	ssyncadd.tile.s32 @!p0 $0x1;
	_ =	shalt  }
.Lfunc_end2:
_tile_overlayer_lowered:
.L_overlay_start_2:
0xcf: {  	(tag) =	ssettag $0x2  }
0xd0: {  	s0 =	rddreg [dreg:$0x0];
	s2 =	stileid.u32  }
0xd1: {  	s1 =	rddreg [dreg:$0x1];
	p0 =	sne.s32 s2, $0x0  }
0xd2: {  	s3 =	rddreg [dreg:$0x2];
	[bflag:$0x3] =	sbarrier.arrive $0xFFFF;
	s2 =	simm.s32 @!p0 $0x1C02  }
0xd3: {  	[timem:s3], [sflag:s2] =	dma.local @!p0 [hbm:s0], s1  }
0xd4: {  	s0 =	simm.s32 @!p0 $0x2  }
0xd5: {  	_ =	swait.ge @!p0 [sflag:s0], s1  }
0xd6: {  	s1 =	ssub.s32 @!p0 $0x0, s1;
	[sflag:s0] =	ssyncset.done @!p0 $0x0  }
0xd7: {  	[sflag:s0] =	ssyncadd.s32 @!p0 s1  }
0xd8: {  	[bflag:$0x3] =	sbarrier.arrive $0xFFFF  }
0xd9: {  	_ =	shalt  }

</sc_bundles>
